<compile_context>
chip_gen: v7x
topology: tpu7x:2x2x1
jax: 0.10.2.dev20260603
libtpu: 0.0.44.dev20260713+nightly
codegen_flags: <defaults>
</compile_context>

<pallas_src>
import jax
import jax.numpy as jnp
from jax import lax
from jax.experimental import pallas as pl
from jax.experimental.pallas import tpu as pltpu
from jax.experimental.pallas import tpu_sc as plsc

E = 160000
N = 10000
HIDDEN = 256


BLK_E = 640


def _silu(x):
    return x + x * jnp.tanh(x)


def _dot(h, w_ref):
    return jax.lax.dot_general(h.astype(jnp.bfloat16), w_ref[...],
                               (((1,), (0,)), ((), ())),
                               preferred_element_type=jnp.float32)


def _mlp_body(ff_ref, w0_ref, w1_ref, w2_ref, w3_ref, w4_ref, b_ref, out_ref):
    h = ff_ref[...]
    h = _silu(_dot(h, w0_ref) + b_ref[0, :])
    h = _silu(_dot(h, w1_ref) + b_ref[1, :])
    h = _silu(_dot(h, w2_ref) + b_ref[2, :])
    h = _silu(_dot(h, w3_ref) + b_ref[3, :])
    out_ref[...] = jnp.sum(h * w4_ref[...], axis=1, keepdims=True) + b_ref[4, 0]


def _mlp_stage(ff, W0, W1, W2, W3, w4row, ballb4):
    grid = (E // BLK_E,)
    return pl.pallas_call(
        _mlp_body,
        grid=grid,
        in_specs=[
            pl.BlockSpec((BLK_E, HIDDEN), lambda i: (i, 0)),
            pl.BlockSpec((HIDDEN, HIDDEN), lambda i: (0, 0)),
            pl.BlockSpec((HIDDEN, HIDDEN), lambda i: (0, 0)),
            pl.BlockSpec((HIDDEN, HIDDEN), lambda i: (0, 0)),
            pl.BlockSpec((HIDDEN, HIDDEN), lambda i: (0, 0)),
            pl.BlockSpec((1, HIDDEN), lambda i: (0, 0)),
            pl.BlockSpec((8, HIDDEN), lambda i: (0, 0)),
        ],
        out_specs=pl.BlockSpec((BLK_E, 1), lambda i: (i, 0)),
        out_shape=jax.ShapeDtypeStruct((E, 1), jnp.float32),
    )(ff, W0, W1, W2, W3, w4row, ballb4)



NC, NS = 2, 16
NW = NC * NS
EPW = E // NW
EPW_PAD = EPW + 8
NGRP = (EPW + 15) // 16
SCHUNK = 100
NSUB = EPW // SCHUNK
ZROWS = 640


def _scatter_body(s_hbm, x_hbm, y_hbm, z_hbm, idx_hbm, zero_hbm, out_hbm,
                  s_v, x_v, y_v, z_v, idx_v, val_v, acc_sh, sem):
    cid = lax.axis_index("c")
    sid = lax.axis_index("s")
    wid = sid * NC + cid
    ebase = wid * EPW

    zbase = sid * ZROWS
    last = N - (NS - 1) * ZROWS

    @pl.when(sid < NS - 1)
    def _():
        pltpu.sync_copy(zero_hbm.at[pl.ds(zbase, ZROWS)],
                        acc_sh.at[pl.ds(zbase, ZROWS)])

    @pl.when(sid == NS - 1)
    def _():
        pltpu.sync_copy(zero_hbm.at[pl.ds((NS - 1) * ZROWS, last)],
                        acc_sh.at[pl.ds((NS - 1) * ZROWS, last)])

    pltpu.async_copy(s_hbm.at[pl.ds(ebase, EPW)], s_v.at[pl.ds(0, EPW)], sem)
    pltpu.async_copy(x_hbm.at[pl.ds(ebase, EPW)], x_v.at[pl.ds(0, EPW)], sem)
    pltpu.async_copy(y_hbm.at[pl.ds(ebase, EPW)], y_v.at[pl.ds(0, EPW)], sem)
    pltpu.async_copy(z_hbm.at[pl.ds(ebase, EPW)], z_v.at[pl.ds(0, EPW)], sem)
    pltpu.async_copy(idx_hbm.at[wid], idx_v, sem)
    pltpu.make_async_copy(s_hbm.at[pl.ds(ebase, EPW)], s_v.at[pl.ds(0, EPW)], sem).wait()
    pltpu.make_async_copy(x_hbm.at[pl.ds(ebase, EPW)], x_v.at[pl.ds(0, EPW)], sem).wait()
    pltpu.make_async_copy(y_hbm.at[pl.ds(ebase, EPW)], y_v.at[pl.ds(0, EPW)], sem).wait()
    pltpu.make_async_copy(z_hbm.at[pl.ds(ebase, EPW)], z_v.at[pl.ds(0, EPW)], sem).wait()
    pltpu.make_async_copy(idx_hbm.at[wid], idx_v, sem).wait()

    c0 = jnp.zeros((16,), jnp.int32)
    def _pack(g, _):
        base = g * 16
        rows = base + lax.iota(jnp.int32, 16)
        s = s_v[pl.ds(base, 16)]
        plsc.store_scatter(val_v, [rows, c0], s * x_v[pl.ds(base, 16)])
        plsc.store_scatter(val_v, [rows, c0 + 1], s * y_v[pl.ds(base, 16)])
        plsc.store_scatter(val_v, [rows, c0 + 2], s * z_v[pl.ds(base, 16)])
        return 0
    lax.fori_loop(0, NGRP, _pack, 0)

    plsc.subcore_barrier()

    def _scat(j, _):
        pltpu.async_copy(val_v.at[pl.ds(j * SCHUNK, SCHUNK)],
                         acc_sh.at[idx_v.at[j]], sem, add=True)
        return 0
    lax.fori_loop(0, NSUB, _scat, 0)

    def _drain(j, _):
        pltpu.make_async_copy(val_v.at[pl.ds(j * SCHUNK, SCHUNK)],
                              acc_sh.at[idx_v.at[j]], sem).wait()
        return 0
    lax.fori_loop(0, NSUB, _drain, 0)

    plsc.subcore_barrier()

    @pl.when(sid < NS - 1)
    def _():
        pltpu.sync_copy(acc_sh.at[pl.ds(zbase, ZROWS)],
                        out_hbm.at[cid, pl.ds(zbase, ZROWS)])

    @pl.when(sid == NS - 1)
    def _():
        pltpu.sync_copy(acc_sh.at[pl.ds((NS - 1) * ZROWS, last)],
                        out_hbm.at[cid, pl.ds((NS - 1) * ZROWS, last)])


def _scatter_stage(scale, evx, evy, evz, dst):
    idx3 = dst.astype(jnp.int32).reshape(NW, NSUB, SCHUNK)
    zeros = jnp.zeros((N, 8), jnp.float32)
    mesh = plsc.VectorSubcoreMesh(core_axis_name="c", subcore_axis_name="s")
    scat = pl.kernel(
        _scatter_body,
        out_type=jax.ShapeDtypeStruct((NC, N, 8), jnp.float32),
        mesh=mesh,
        compiler_params=pltpu.CompilerParams(use_tc_tiling_on_sc=False,
                                             needs_layout_passes=False),
        scratch_types=[
            pltpu.VMEM((EPW_PAD,), jnp.float32),
            pltpu.VMEM((EPW_PAD,), jnp.float32),
            pltpu.VMEM((EPW_PAD,), jnp.float32),
            pltpu.VMEM((EPW_PAD,), jnp.float32),
            pltpu.VMEM((NSUB, SCHUNK), jnp.int32),
            pltpu.VMEM((EPW_PAD, 8), jnp.float32),
            pltpu.VMEM_SHARED((N, 8), jnp.float32),
            pltpu.SemaphoreType.DMA,
        ],
    )
    return scat(scale, evx, evy, evz, idx3, zeros)



def _reduce_body(p_ref, out_ref):
    out_ref[...] = p_ref[0] + p_ref[1]


def _reduce_stage(partials):
    return pl.pallas_call(
        _reduce_body,
        out_shape=jax.ShapeDtypeStruct((N, 8), jnp.float32),
    )(partials)


@jax.jit
def kernel(force_features, edge_vectors, edge_index_dst, pos,
           W0, b0, W1, b1, W2, b2, W3, b3, W4, b4):
    w4row = W4.reshape(1, HIDDEN)
    ballb4 = jnp.concatenate(
        [0.5 * jnp.stack([b0, b1, b2, b3]),
         jnp.broadcast_to(b4.reshape(1, 1), (1, HIDDEN)),
         jnp.zeros((3, HIDDEN), jnp.float32)], axis=0)
    Wb = [(0.5 * w).astype(jnp.bfloat16) for w in (W0, W1, W2, W3)]
    scale = _mlp_stage(force_features, Wb[0], Wb[1], Wb[2], Wb[3],
                       w4row, ballb4).reshape(E)
    evx = edge_vectors[:, 0]
    evy = edge_vectors[:, 1]
    evz = edge_vectors[:, 2]
    partials = _scatter_stage(scale, evx, evy, evz, edge_index_dst)
    forces8 = _reduce_stage(partials)
    return forces8[:, :3]

# --- scband reference (transcript-rebuilt; emitter-appended) ---
"""Pipeline reference for scband-direct-force-output-head-17712445129578 (READ-ONLY COPY).

The authoritative reference and input builder live on the scoring server;
editing this copy changes nothing except your own understanding.
"""

import jax, jax.numpy as jnp
import numpy as np

E = 160000
N = 10000
HIDDEN = 256
NUM_LAYERS = 5


def setup_inputs(seed: int = 0) -> dict:
    key = jax.random.key(seed)
    ks = jax.random.split(key, 20)
    inp = {}
    inp["force_features"] = jax.random.normal(ks[0], (E, HIDDEN), dtype=jnp.float32)
    inp["edge_vectors"] = jax.random.normal(ks[1], (E, 3), dtype=jnp.float32)
    inp["edge_index_dst"] = jax.random.randint(ks[2], (E,), 0, N, dtype=jnp.int32)
    inp["pos"] = jax.random.normal(ks[3], (N, 3), dtype=jnp.float32)
    # MLP layer dims: [HIDDEN]*NUM_LAYERS + [1] -> NUM_LAYERS linear layers
    dims = [HIDDEN] * NUM_LAYERS + [1]
    for i in range(NUM_LAYERS):
        fan_in = dims[i]
        inp[f"W{i}"] = jax.random.normal(ks[4 + i], (dims[i], dims[i + 1]), dtype=jnp.float32) * np.sqrt(2.0 / fan_in)
        inp[f"b{i}"] = jnp.zeros((dims[i + 1],), dtype=jnp.float32)
    return inp


def _mlp(h, Ws, bs):
    n = len(Ws)
    for i in range(n):
        h = h @ Ws[i] + bs[i]
        if i < n - 1:
            h = jax.nn.silu(h)
    return h


def reference(force_features, edge_vectors, edge_index_dst, pos,
              W0, b0, W1, b1, W2, b2, W3, b3, W4, b4):
    natoms = pos.shape[0]
    Ws = [W0, W1, W2, W3, W4]
    bs = [b0, b1, b2, b3, b4]
    forces_scale = _mlp(force_features, Ws, bs)  # [E, 1]
    forces_e = forces_scale * edge_vectors       # [E, 3]
    # scatter-add (reduce='sum') over destination nodes
    forces = jnp.zeros((natoms, 3), dtype=forces_e.dtype).at[edge_index_dst].add(forces_e)
    return forces

if __name__ == "__main__":
    import jax
    _d = setup_inputs()
    print(jax.jit(kernel)(*tuple(_d.values())))

</pallas_src>

<mosaic_0001>
#map = affine_map<(d0, d1) -> (0)>
#map1 = affine_map<(d0, d1) -> (0, 0, 0)>
#map2 = affine_map<(d0, d1) -> (0, 0)>
module attributes {stable_mosaic.version = 14 : i64} {
  func.func @_scatter_body(%arg0: i32, %arg1: i32, %arg2: memref<160000xf32, #tpu.memory_space<hbm>>, %arg3: memref<160000xf32, #tpu.memory_space<hbm>>, %arg4: memref<160000xf32, #tpu.memory_space<hbm>>, %arg5: memref<160000xf32, #tpu.memory_space<hbm>>, %arg6: memref<32x50x100xi32, #tpu.memory_space<hbm>>, %arg7: memref<10000x8xf32, #tpu.memory_space<hbm>>, %arg8: memref<2x10000x8xf32, #tpu.memory_space<hbm>>, %arg9: memref<5008xf32, #tpu.memory_space<vmem>>, %arg10: memref<5008xf32, #tpu.memory_space<vmem>>, %arg11: memref<5008xf32, #tpu.memory_space<vmem>>, %arg12: memref<5008xf32, #tpu.memory_space<vmem>>, %arg13: memref<50x100xi32, #tpu.memory_space<vmem>>, %arg14: memref<5008x8xf32, #tpu.memory_space<vmem>>, %arg15: memref<10000x8xf32, #tpu.memory_space<vmem_shared>>, %arg16: memref<!tpu.dma_semaphore, #tpu.memory_space<semaphore_mem>>) attributes {dimension_semantics = [#tpu.dimension_semantics<core_parallel>, #tpu.dimension_semantics<subcore_parallel>], iteration_bounds = array<i64: 2, 16>, scalar_prefetch = 0 : i64, scratch_operands = 8 : i64, tpu.core_type = #tpu.core_type<sc_vector_subcore>, window_params = [{transform_indices = #map}, {transform_indices = #map}, {transform_indices = #map}, {transform_indices = #map}, {transform_indices = #map1}, {transform_indices = #map2}, {transform_indices = #map1}]} {
    %mul3A = arith.constant 2 : i32
    %mul3A_0 = arith.muli %arg1, %mul3A : i32
    %add3A = arith.addi %mul3A_0, %arg0 : i32
    %mul3A_1 = arith.constant 5000 : i32
    %mul3A_2 = arith.muli %add3A, %mul3A_1 : i32
    %mul3A_3 = arith.constant 640 : i32
    %mul3A_4 = arith.muli %arg1, %mul3A_3 : i32
    %lt3A = arith.constant 15 : i32
    %lt3A_5 = arith.cmpi slt, %arg1, %lt3A : i32
    %convert_element_type3A = arith.extui %lt3A_5 : i1 to i32
    %cond3A = arith.constant 0 : i32
    %cond3A_6 = arith.cmpi ne, %convert_element_type3A, %cond3A : i32
    scf.if %cond3A_6 {
      "tpu.region"() ({
        %run_scoped3A = tpu.sem_alloc : memref<!tpu.dma_semaphore, #tpu.memory_space<semaphore_mem>>
        %dma_start3A_105 = arith.constant 0 : i32
        %dma_start3A_106 = tpu.memref_slice %arg15[%mul3A_4, %dma_start3A_105] : memref<10000x8xf32, #tpu.memory_space<vmem_shared>> -> memref<640x8xf32, #tpu.memory_space<vmem_shared>>
        %dma_start3A_107 = arith.constant 0 : i32
        %dma_start3A_108 = tpu.memref_slice %arg7[%mul3A_4, %dma_start3A_107] : memref<10000x8xf32, #tpu.memory_space<hbm>> -> memref<640x8xf32, #tpu.memory_space<hbm>>
        tpu.enqueue_dma source(%dma_start3A_108 : memref<640x8xf32, #tpu.memory_space<hbm>>) target(%dma_start3A_106 : memref<640x8xf32, #tpu.memory_space<vmem_shared>>) target_semaphore(%run_scoped3A : memref<!tpu.dma_semaphore, #tpu.memory_space<semaphore_mem>>)
        %dma_wait3A_109 = arith.constant 0 : i32
        %dma_wait3A_110 = tpu.memref_slice %arg15[%mul3A_4, %dma_wait3A_109] : memref<10000x8xf32, #tpu.memory_space<vmem_shared>> -> memref<640x8xf32, #tpu.memory_space<vmem_shared>>
        %dma_wait3A_111 = arith.constant 0 : i32
        %dma_wait3A_112 = tpu.memref_slice %arg7[%mul3A_4, %dma_wait3A_111] : memref<10000x8xf32, #tpu.memory_space<hbm>> -> memref<640x8xf32, #tpu.memory_space<hbm>>
        tpu.wait_dma2 semaphore(%run_scoped3A : memref<!tpu.dma_semaphore, #tpu.memory_space<semaphore_mem>>) src(%dma_wait3A_112 : memref<640x8xf32, #tpu.memory_space<hbm>>) dst(%dma_wait3A_110 : memref<640x8xf32, #tpu.memory_space<vmem_shared>>)
        tpu.yield
      }) : () -> ()
    } else {
    }
    %eq3A = arith.constant 15 : i32
    %eq3A_7 = arith.cmpi eq, %arg1, %eq3A : i32
    %convert_element_type3A_8 = arith.extui %eq3A_7 : i1 to i32
    %cond3A_9 = arith.constant 0 : i32
    %cond3A_10 = arith.cmpi ne, %convert_element_type3A_8, %cond3A_9 : i32
    scf.if %cond3A_10 {
      "tpu.region"() ({
        %run_scoped3A = tpu.sem_alloc : memref<!tpu.dma_semaphore, #tpu.memory_space<semaphore_mem>>
        %dma_start3A_105 = arith.constant 9600 : i32
        %dma_start3A_106 = arith.constant 0 : i32
        %dma_start3A_107 = tpu.memref_slice %arg15[%dma_start3A_105, %dma_start3A_106] : memref<10000x8xf32, #tpu.memory_space<vmem_shared>> -> memref<400x8xf32, #tpu.memory_space<vmem_shared>>
        %dma_start3A_108 = arith.constant 9600 : i32
        %dma_start3A_109 = arith.constant 0 : i32
        %dma_start3A_110 = tpu.memref_slice %arg7[%dma_start3A_108, %dma_start3A_109] : memref<10000x8xf32, #tpu.memory_space<hbm>> -> memref<400x8xf32, #tpu.memory_space<hbm>>
        tpu.enqueue_dma source(%dma_start3A_110 : memref<400x8xf32, #tpu.memory_space<hbm>>) target(%dma_start3A_107 : memref<400x8xf32, #tpu.memory_space<vmem_shared>>) target_semaphore(%run_scoped3A : memref<!tpu.dma_semaphore, #tpu.memory_space<semaphore_mem>>)
        %dma_wait3A_111 = arith.constant 9600 : i32
        %dma_wait3A_112 = arith.constant 0 : i32
        %dma_wait3A_113 = tpu.memref_slice %arg15[%dma_wait3A_111, %dma_wait3A_112] : memref<10000x8xf32, #tpu.memory_space<vmem_shared>> -> memref<400x8xf32, #tpu.memory_space<vmem_shared>>
        %dma_wait3A_114 = arith.constant 9600 : i32
        %dma_wait3A_115 = arith.constant 0 : i32
        %dma_wait3A_116 = tpu.memref_slice %arg7[%dma_wait3A_114, %dma_wait3A_115] : memref<10000x8xf32, #tpu.memory_space<hbm>> -> memref<400x8xf32, #tpu.memory_space<hbm>>
        tpu.wait_dma2 semaphore(%run_scoped3A : memref<!tpu.dma_semaphore, #tpu.memory_space<semaphore_mem>>) src(%dma_wait3A_116 : memref<400x8xf32, #tpu.memory_space<hbm>>) dst(%dma_wait3A_113 : memref<400x8xf32, #tpu.memory_space<vmem_shared>>)
        tpu.yield
      }) : () -> ()
    } else {
    }
    %dma_start3A = arith.constant 0 : i32
    %dma_start3A_11 = tpu.memref_slice %arg9[%dma_start3A] : memref<5008xf32, #tpu.memory_space<vmem>> -> memref<5000xf32, #tpu.memory_space<vmem>>
    %dma_start3A_12 = tpu.memref_slice %arg2[%mul3A_2] : memref<160000xf32, #tpu.memory_space<hbm>> -> memref<5000xf32, #tpu.memory_space<hbm>>
    %dma_start3A_13 = arith.constant 0 : i32
    %dma_start3A_14 = tpu.memref_slice %arg9[%dma_start3A_13] : memref<5008xf32, #tpu.memory_space<vmem>> -> memref<5000xf32, #tpu.memory_space<vmem>>
    %dma_start3A_15 = tpu.memref_slice %arg2[%mul3A_2] : memref<160000xf32, #tpu.memory_space<hbm>> -> memref<5000xf32, #tpu.memory_space<hbm>>
    tpu.enqueue_dma source(%dma_start3A_15 : memref<5000xf32, #tpu.memory_space<hbm>>) target(%dma_start3A_14 : memref<5000xf32, #tpu.memory_space<vmem>>) target_semaphore(%arg16 : memref<!tpu.dma_semaphore, #tpu.memory_space<semaphore_mem>>)
    %dma_start3A_16 = arith.constant 0 : i32
    %dma_start3A_17 = tpu.memref_slice %arg10[%dma_start3A_16] : memref<5008xf32, #tpu.memory_space<vmem>> -> memref<5000xf32, #tpu.memory_space<vmem>>
    %dma_start3A_18 = tpu.memref_slice %arg3[%mul3A_2] : memref<160000xf32, #tpu.memory_space<hbm>> -> memref<5000xf32, #tpu.memory_space<hbm>>
    %dma_start3A_19 = arith.constant 0 : i32
    %dma_start3A_20 = tpu.memref_slice %arg10[%dma_start3A_19] : memref<5008xf32, #tpu.memory_space<vmem>> -> memref<5000xf32, #tpu.memory_space<vmem>>
    %dma_start3A_21 = tpu.memref_slice %arg3[%mul3A_2] : memref<160000xf32, #tpu.memory_space<hbm>> -> memref<5000xf32, #tpu.memory_space<hbm>>
    tpu.enqueue_dma source(%dma_start3A_21 : memref<5000xf32, #tpu.memory_space<hbm>>) target(%dma_start3A_20 : memref<5000xf32, #tpu.memory_space<vmem>>) target_semaphore(%arg16 : memref<!tpu.dma_semaphore, #tpu.memory_space<semaphore_mem>>)
    %dma_start3A_22 = arith.constant 0 : i32
    %dma_start3A_23 = tpu.memref_slice %arg11[%dma_start3A_22] : memref<5008xf32, #tpu.memory_space<vmem>> -> memref<5000xf32, #tpu.memory_space<vmem>>
    %dma_start3A_24 = tpu.memref_slice %arg4[%mul3A_2] : memref<160000xf32, #tpu.memory_space<hbm>> -> memref<5000xf32, #tpu.memory_space<hbm>>
    %dma_start3A_25 = arith.constant 0 : i32
    %dma_start3A_26 = tpu.memref_slice %arg11[%dma_start3A_25] : memref<5008xf32, #tpu.memory_space<vmem>> -> memref<5000xf32, #tpu.memory_space<vmem>>
    %dma_start3A_27 = tpu.memref_slice %arg4[%mul3A_2] : memref<160000xf32, #tpu.memory_space<hbm>> -> memref<5000xf32, #tpu.memory_space<hbm>>
    tpu.enqueue_dma source(%dma_start3A_27 : memref<5000xf32, #tpu.memory_space<hbm>>) target(%dma_start3A_26 : memref<5000xf32, #tpu.memory_space<vmem>>) target_semaphore(%arg16 : memref<!tpu.dma_semaphore, #tpu.memory_space<semaphore_mem>>)
    %dma_start3A_28 = arith.constant 0 : i32
    %dma_start3A_29 = tpu.memref_slice %arg12[%dma_start3A_28] : memref<5008xf32, #tpu.memory_space<vmem>> -> memref<5000xf32, #tpu.memory_space<vmem>>
    %dma_start3A_30 = tpu.memref_slice %arg5[%mul3A_2] : memref<160000xf32, #tpu.memory_space<hbm>> -> memref<5000xf32, #tpu.memory_space<hbm>>
    %dma_start3A_31 = arith.constant 0 : i32
    %dma_start3A_32 = tpu.memref_slice %arg12[%dma_start3A_31] : memref<5008xf32, #tpu.memory_space<vmem>> -> memref<5000xf32, #tpu.memory_space<vmem>>
    %dma_start3A_33 = tpu.memref_slice %arg5[%mul3A_2] : memref<160000xf32, #tpu.memory_space<hbm>> -> memref<5000xf32, #tpu.memory_space<hbm>>
    tpu.enqueue_dma source(%dma_start3A_33 : memref<5000xf32, #tpu.memory_space<hbm>>) target(%dma_start3A_32 : memref<5000xf32, #tpu.memory_space<vmem>>) target_semaphore(%arg16 : memref<!tpu.dma_semaphore, #tpu.memory_space<semaphore_mem>>)
    %dma_start3A_34 = arith.constant 0 : i32
    %dma_start3A_35 = arith.constant 0 : i32
    %dma_start3A_36 = tpu.memref_slice %arg6[%add3A, %dma_start3A_34, %dma_start3A_35] : memref<32x50x100xi32, #tpu.memory_space<hbm>> -> memref<1x50x100xi32, #tpu.memory_space<hbm>>
    %dma_start3A_37 = tpu.memref_squeeze %dma_start3A_36 : memref<1x50x100xi32, #tpu.memory_space<hbm>> -> memref<50x100xi32, #tpu.memory_space<hbm>>
    %dma_start3A_38 = arith.constant 0 : i32
    %dma_start3A_39 = arith.constant 0 : i32
    %dma_start3A_40 = tpu.memref_slice %arg6[%add3A, %dma_start3A_38, %dma_start3A_39] : memref<32x50x100xi32, #tpu.memory_space<hbm>> -> memref<1x50x100xi32, #tpu.memory_space<hbm>>
    %dma_start3A_41 = tpu.memref_squeeze %dma_start3A_40 : memref<1x50x100xi32, #tpu.memory_space<hbm>> -> memref<50x100xi32, #tpu.memory_space<hbm>>
    tpu.enqueue_dma source(%dma_start3A_41 : memref<50x100xi32, #tpu.memory_space<hbm>>) target(%arg13 : memref<50x100xi32, #tpu.memory_space<vmem>>) target_semaphore(%arg16 : memref<!tpu.dma_semaphore, #tpu.memory_space<semaphore_mem>>)
    %dma_wait3A = arith.constant 0 : i32
    %dma_wait3A_42 = tpu.memref_slice %arg9[%dma_wait3A] : memref<5008xf32, #tpu.memory_space<vmem>> -> memref<5000xf32, #tpu.memory_space<vmem>>
    %dma_wait3A_43 = tpu.memref_slice %arg2[%mul3A_2] : memref<160000xf32, #tpu.memory_space<hbm>> -> memref<5000xf32, #tpu.memory_space<hbm>>
    %dma_wait3A_44 = arith.constant 0 : i32
    %dma_wait3A_45 = tpu.memref_slice %arg9[%dma_wait3A_44] : memref<5008xf32, #tpu.memory_space<vmem>> -> memref<5000xf32, #tpu.memory_space<vmem>>
    %dma_wait3A_46 = tpu.memref_slice %arg2[%mul3A_2] : memref<160000xf32, #tpu.memory_space<hbm>> -> memref<5000xf32, #tpu.memory_space<hbm>>
    tpu.wait_dma2 semaphore(%arg16 : memref<!tpu.dma_semaphore, #tpu.memory_space<semaphore_mem>>) src(%dma_wait3A_46 : memref<5000xf32, #tpu.memory_space<hbm>>) dst(%dma_wait3A_45 : memref<5000xf32, #tpu.memory_space<vmem>>)
    %dma_wait3A_47 = arith.constant 0 : i32
    %dma_wait3A_48 = tpu.memref_slice %arg10[%dma_wait3A_47] : memref<5008xf32, #tpu.memory_space<vmem>> -> memref<5000xf32, #tpu.memory_space<vmem>>
    %dma_wait3A_49 = tpu.memref_slice %arg3[%mul3A_2] : memref<160000xf32, #tpu.memory_space<hbm>> -> memref<5000xf32, #tpu.memory_space<hbm>>
    %dma_wait3A_50 = arith.constant 0 : i32
    %dma_wait3A_51 = tpu.memref_slice %arg10[%dma_wait3A_50] : memref<5008xf32, #tpu.memory_space<vmem>> -> memref<5000xf32, #tpu.memory_space<vmem>>
    %dma_wait3A_52 = tpu.memref_slice %arg3[%mul3A_2] : memref<160000xf32, #tpu.memory_space<hbm>> -> memref<5000xf32, #tpu.memory_space<hbm>>
    tpu.wait_dma2 semaphore(%arg16 : memref<!tpu.dma_semaphore, #tpu.memory_space<semaphore_mem>>) src(%dma_wait3A_52 : memref<5000xf32, #tpu.memory_space<hbm>>) dst(%dma_wait3A_51 : memref<5000xf32, #tpu.memory_space<vmem>>)
    %dma_wait3A_53 = arith.constant 0 : i32
    %dma_wait3A_54 = tpu.memref_slice %arg11[%dma_wait3A_53] : memref<5008xf32, #tpu.memory_space<vmem>> -> memref<5000xf32, #tpu.memory_space<vmem>>
    %dma_wait3A_55 = tpu.memref_slice %arg4[%mul3A_2] : memref<160000xf32, #tpu.memory_space<hbm>> -> memref<5000xf32, #tpu.memory_space<hbm>>
    %dma_wait3A_56 = arith.constant 0 : i32
    %dma_wait3A_57 = tpu.memref_slice %arg11[%dma_wait3A_56] : memref<5008xf32, #tpu.memory_space<vmem>> -> memref<5000xf32, #tpu.memory_space<vmem>>
    %dma_wait3A_58 = tpu.memref_slice %arg4[%mul3A_2] : memref<160000xf32, #tpu.memory_space<hbm>> -> memref<5000xf32, #tpu.memory_space<hbm>>
    tpu.wait_dma2 semaphore(%arg16 : memref<!tpu.dma_semaphore, #tpu.memory_space<semaphore_mem>>) src(%dma_wait3A_58 : memref<5000xf32, #tpu.memory_space<hbm>>) dst(%dma_wait3A_57 : memref<5000xf32, #tpu.memory_space<vmem>>)
    %dma_wait3A_59 = arith.constant 0 : i32
    %dma_wait3A_60 = tpu.memref_slice %arg12[%dma_wait3A_59] : memref<5008xf32, #tpu.memory_space<vmem>> -> memref<5000xf32, #tpu.memory_space<vmem>>
    %dma_wait3A_61 = tpu.memref_slice %arg5[%mul3A_2] : memref<160000xf32, #tpu.memory_space<hbm>> -> memref<5000xf32, #tpu.memory_space<hbm>>
    %dma_wait3A_62 = arith.constant 0 : i32
    %dma_wait3A_63 = tpu.memref_slice %arg12[%dma_wait3A_62] : memref<5008xf32, #tpu.memory_space<vmem>> -> memref<5000xf32, #tpu.memory_space<vmem>>
    %dma_wait3A_64 = tpu.memref_slice %arg5[%mul3A_2] : memref<160000xf32, #tpu.memory_space<hbm>> -> memref<5000xf32, #tpu.memory_space<hbm>>
    tpu.wait_dma2 semaphore(%arg16 : memref<!tpu.dma_semaphore, #tpu.memory_space<semaphore_mem>>) src(%dma_wait3A_64 : memref<5000xf32, #tpu.memory_space<hbm>>) dst(%dma_wait3A_63 : memref<5000xf32, #tpu.memory_space<vmem>>)
    %dma_wait3A_65 = arith.constant 0 : i32
    %dma_wait3A_66 = arith.constant 0 : i32
    %dma_wait3A_67 = tpu.memref_slice %arg6[%add3A, %dma_wait3A_65, %dma_wait3A_66] : memref<32x50x100xi32, #tpu.memory_space<hbm>> -> memref<1x50x100xi32, #tpu.memory_space<hbm>>
    %dma_wait3A_68 = tpu.memref_squeeze %dma_wait3A_67 : memref<1x50x100xi32, #tpu.memory_space<hbm>> -> memref<50x100xi32, #tpu.memory_space<hbm>>
    %dma_wait3A_69 = arith.constant 0 : i32
    %dma_wait3A_70 = arith.constant 0 : i32
    %dma_wait3A_71 = tpu.memref_slice %arg6[%add3A, %dma_wait3A_69, %dma_wait3A_70] : memref<32x50x100xi32, #tpu.memory_space<hbm>> -> memref<1x50x100xi32, #tpu.memory_space<hbm>>
    %dma_wait3A_72 = tpu.memref_squeeze %dma_wait3A_71 : memref<1x50x100xi32, #tpu.memory_space<hbm>> -> memref<50x100xi32, #tpu.memory_space<hbm>>
    tpu.wait_dma2 semaphore(%arg16 : memref<!tpu.dma_semaphore, #tpu.memory_space<semaphore_mem>>) src(%dma_wait3A_72 : memref<50x100xi32, #tpu.memory_space<hbm>>) dst(%arg13 : memref<50x100xi32, #tpu.memory_space<vmem>>)
    %broadcast_in_dim3A = arith.constant 0 : i32
    %broadcast_in_dim3A_73 = vector.broadcast %broadcast_in_dim3A : i32 to vector<16xi32>
    %scan3A = arith.constant 0 : i32
    %scan3A_74 = arith.constant 0 : i32
    %scan3A_75 = arith.constant 313 : i32
    %scan3A_76 = arith.addi %scan3A_74, %scan3A_75 : i32
    %scan3A_77 = arith.constant 1 : i32
    %scan3A_78 = scf.for %scan3A_105 = %scan3A_74 to %scan3A_76 step %scan3A_77 iter_args(%scan3A_106 = %scan3A) -> (i32)  : i32 {
      %mul3A_107 = arith.constant 16 : i32
      %mul3A_108 = arith.muli %scan3A_105, %mul3A_107 : i32
      %iota3A = tpu.iota {dimensions = array<i32: 0>} : vector<16xi32>
      %add3A_109 = vector.broadcast %mul3A_108 : i32 to vector<16xi32>
      %add3A_110 = arith.addi %add3A_109, %iota3A : vector<16xi32>
      %get3A = arith.index_cast %mul3A_108 : i32 to index
      %get3A_111 = tpu.vector_load %arg9[%get3A] {strides = array<i32>} : memref<5008xf32, #tpu.memory_space<vmem>>, vector<16xf32>,
      %get3A_112 = arith.index_cast %mul3A_108 : i32 to index
      %get3A_113 = tpu.vector_load %arg10[%get3A_112] {strides = array<i32>} : memref<5008xf32, #tpu.memory_space<vmem>>, vector<16xf32>,
      %mul3A_114 = arith.mulf %get3A_111, %get3A_113 : vector<16xf32>
      tpu.vector_store_idx %arg14[%add3A_110, %broadcast_in_dim3A_73], %mul3A_114 : memref<5008x8xf32, #tpu.memory_space<vmem>>[vector<16xi32>, vector<16xi32>], vector<16xf32>,
      %add3A_115 = arith.constant 1 : i32
      %add3A_116 = vector.broadcast %add3A_115 : i32 to vector<16xi32>
      %add3A_117 = arith.addi %broadcast_in_dim3A_73, %add3A_116 : vector<16xi32>
      %get3A_118 = arith.index_cast %mul3A_108 : i32 to index
      %get3A_119 = tpu.vector_load %arg11[%get3A_118] {strides = array<i32>} : memref<5008xf32, #tpu.memory_space<vmem>>, vector<16xf32>,
      %mul3A_120 = arith.mulf %get3A_111, %get3A_119 : vector<16xf32>
      tpu.vector_store_idx %arg14[%add3A_110, %add3A_117], %mul3A_120 : memref<5008x8xf32, #tpu.memory_space<vmem>>[vector<16xi32>, vector<16xi32>], vector<16xf32>,
      %add3A_121 = arith.constant 2 : i32
      %add3A_122 = vector.broadcast %add3A_121 : i32 to vector<16xi32>
      %add3A_123 = arith.addi %broadcast_in_dim3A_73, %add3A_122 : vector<16xi32>
      %get3A_124 = arith.index_cast %mul3A_108 : i32 to index
      %get3A_125 = tpu.vector_load %arg12[%get3A_124] {strides = array<i32>} : memref<5008xf32, #tpu.memory_space<vmem>>, vector<16xf32>,
      %mul3A_126 = arith.mulf %get3A_111, %get3A_125 : vector<16xf32>
      tpu.vector_store_idx %arg14[%add3A_110, %add3A_123], %mul3A_126 : memref<5008x8xf32, #tpu.memory_space<vmem>>[vector<16xi32>, vector<16xi32>], vector<16xf32>,
      %scan3A_127 = arith.constant 0 : i32
      scf.yield %scan3A_127 : i32
    }
    %scan3A_79 = arith.constant 313 : i32
    %barrier3A = arith.constant 0 : index
    tpu.barrier barrier_id(%barrier3A)
    %scan3A_80 = arith.constant 0 : i32
    %scan3A_81 = arith.constant 0 : i32
    %scan3A_82 = arith.constant 50 : i32
    %scan3A_83 = arith.addi %scan3A_81, %scan3A_82 : i32
    %scan3A_84 = arith.constant 1 : i32
    %scan3A_85 = scf.for %scan3A_105 = %scan3A_81 to %scan3A_83 step %scan3A_84 iter_args(%scan3A_106 = %scan3A_80) -> (i32)  : i32 {
      %mul3A_107 = arith.constant 100 : i32
      %mul3A_108 = arith.muli %scan3A_105, %mul3A_107 : i32
      %dma_start3A_109 = arith.constant 0 : i32
      %dma_start3A_110 = tpu.memref_slice %arg14[%mul3A_108, %dma_start3A_109] : memref<5008x8xf32, #tpu.memory_space<vmem>> -> memref<100x8xf32, #tpu.memory_space<vmem>>
      %dma_start3A_111 = arith.constant 0 : i32
      %dma_start3A_112 = tpu.memref_slice %arg13[%scan3A_105, %dma_start3A_111] : memref<50x100xi32, #tpu.memory_space<vmem>> -> memref<1x100xi32, #tpu.memory_space<vmem>>
      %dma_start3A_113 = tpu.memref_squeeze %dma_start3A_112 : memref<1x100xi32, #tpu.memory_space<vmem>> -> memref<100xi32, #tpu.memory_space<vmem>>
      %dma_start3A_114 = arith.constant 0 : i32
      %dma_start3A_115 = arith.constant 0 : i32
      %dma_start3A_116 = tpu.memref_slice %arg15[%dma_start3A_114, %dma_start3A_115] : memref<10000x8xf32, #tpu.memory_space<vmem_shared>> -> memref<10000x8xf32, #tpu.memory_space<vmem_shared>>
      tpu.enqueue_indirect_dma source(%dma_start3A_110 : memref<100x8xf32, #tpu.memory_space<vmem>>) target(%dma_start3A_116 : memref<10000x8xf32, #tpu.memory_space<vmem_shared>>) offsets(%dma_start3A_113 : memref<100xi32, #tpu.memory_space<vmem>>) semaphore(%arg16 : memref<!tpu.dma_semaphore, #tpu.memory_space<semaphore_mem>>) {add = true}
      %scan3A_117 = arith.constant 0 : i32
      scf.yield %scan3A_117 : i32
    }
    %scan3A_86 = arith.constant 50 : i32
    %scan3A_87 = arith.constant 0 : i32
    %scan3A_88 = arith.constant 0 : i32
    %scan3A_89 = arith.constant 50 : i32
    %scan3A_90 = arith.addi %scan3A_88, %scan3A_89 : i32
    %scan3A_91 = arith.constant 1 : i32
    %scan3A_92 = scf.for %scan3A_105 = %scan3A_88 to %scan3A_90 step %scan3A_91 iter_args(%scan3A_106 = %scan3A_87) -> (i32)  : i32 {
      %mul3A_107 = arith.constant 100 : i32
      %mul3A_108 = arith.muli %scan3A_105, %mul3A_107 : i32
      %dma_wait3A_109 = arith.constant 0 : i32
      %dma_wait3A_110 = tpu.memref_slice %arg14[%mul3A_108, %dma_wait3A_109] : memref<5008x8xf32, #tpu.memory_space<vmem>> -> memref<100x8xf32, #tpu.memory_space<vmem>>
      %dma_wait3A_111 = arith.constant 0 : i32
      %dma_wait3A_112 = tpu.memref_slice %arg13[%scan3A_105, %dma_wait3A_111] : memref<50x100xi32, #tpu.memory_space<vmem>> -> memref<1x100xi32, #tpu.memory_space<vmem>>
      %dma_wait3A_113 = tpu.memref_squeeze %dma_wait3A_112 : memref<1x100xi32, #tpu.memory_space<vmem>> -> memref<100xi32, #tpu.memory_space<vmem>>
      %dma_wait3A_114 = arith.constant 0 : i32
      %dma_wait3A_115 = arith.constant 0 : i32
      %dma_wait3A_116 = tpu.memref_slice %arg15[%dma_wait3A_114, %dma_wait3A_115] : memref<10000x8xf32, #tpu.memory_space<vmem_shared>> -> memref<10000x8xf32, #tpu.memory_space<vmem_shared>>
      tpu.wait_indirect_dma semaphore(%arg16 : memref<!tpu.dma_semaphore, #tpu.memory_space<semaphore_mem>>) src(%dma_wait3A_110 : memref<100x8xf32, #tpu.memory_space<vmem>>) dst(%dma_wait3A_116 : memref<10000x8xf32, #tpu.memory_space<vmem_shared>>)
      %scan3A_117 = arith.constant 0 : i32
      scf.yield %scan3A_117 : i32
    }
    %scan3A_93 = arith.constant 50 : i32
    %barrier3A_94 = arith.constant 0 : index
    tpu.barrier barrier_id(%barrier3A_94)
    %lt3A_95 = arith.constant 15 : i32
    %lt3A_96 = arith.cmpi slt, %arg1, %lt3A_95 : i32
    %convert_element_type3A_97 = arith.extui %lt3A_96 : i1 to i32
    %cond3A_98 = arith.constant 0 : i32
    %cond3A_99 = arith.cmpi ne, %convert_element_type3A_97, %cond3A_98 : i32
    scf.if %cond3A_99 {
      "tpu.region"() ({
        %run_scoped3A = tpu.sem_alloc : memref<!tpu.dma_semaphore, #tpu.memory_space<semaphore_mem>>
        %dma_start3A_105 = arith.constant 0 : i32
        %dma_start3A_106 = tpu.memref_slice %arg8[%arg0, %mul3A_4, %dma_start3A_105] : memref<2x10000x8xf32, #tpu.memory_space<hbm>> -> memref<1x640x8xf32, #tpu.memory_space<hbm>>
        %dma_start3A_107 = tpu.memref_squeeze %dma_start3A_106 : memref<1x640x8xf32, #tpu.memory_space<hbm>> -> memref<640x8xf32, #tpu.memory_space<hbm>>
        %dma_start3A_108 = arith.constant 0 : i32
        %dma_start3A_109 = tpu.memref_slice %arg15[%mul3A_4, %dma_start3A_108] : memref<10000x8xf32, #tpu.memory_space<vmem_shared>> -> memref<640x8xf32, #tpu.memory_space<vmem_shared>>
        tpu.enqueue_dma source(%dma_start3A_109 : memref<640x8xf32, #tpu.memory_space<vmem_shared>>) target(%dma_start3A_107 : memref<640x8xf32, #tpu.memory_space<hbm>>) target_semaphore(%run_scoped3A : memref<!tpu.dma_semaphore, #tpu.memory_space<semaphore_mem>>)
        %dma_wait3A_110 = arith.constant 0 : i32
        %dma_wait3A_111 = tpu.memref_slice %arg8[%arg0, %mul3A_4, %dma_wait3A_110] : memref<2x10000x8xf32, #tpu.memory_space<hbm>> -> memref<1x640x8xf32, #tpu.memory_space<hbm>>
        %dma_wait3A_112 = tpu.memref_squeeze %dma_wait3A_111 : memref<1x640x8xf32, #tpu.memory_space<hbm>> -> memref<640x8xf32, #tpu.memory_space<hbm>>
        %dma_wait3A_113 = arith.constant 0 : i32
        %dma_wait3A_114 = tpu.memref_slice %arg15[%mul3A_4, %dma_wait3A_113] : memref<10000x8xf32, #tpu.memory_space<vmem_shared>> -> memref<640x8xf32, #tpu.memory_space<vmem_shared>>
        tpu.wait_dma2 semaphore(%run_scoped3A : memref<!tpu.dma_semaphore, #tpu.memory_space<semaphore_mem>>) src(%dma_wait3A_114 : memref<640x8xf32, #tpu.memory_space<vmem_shared>>) dst(%dma_wait3A_112 : memref<640x8xf32, #tpu.memory_space<hbm>>)
        tpu.yield
      }) : () -> ()
    } else {
    }
    %eq3A_100 = arith.constant 15 : i32
    %eq3A_101 = arith.cmpi eq, %arg1, %eq3A_100 : i32
    %convert_element_type3A_102 = arith.extui %eq3A_101 : i1 to i32
    %cond3A_103 = arith.constant 0 : i32
    %cond3A_104 = arith.cmpi ne, %convert_element_type3A_102, %cond3A_103 : i32
    scf.if %cond3A_104 {
      "tpu.region"() ({
        %run_scoped3A = tpu.sem_alloc : memref<!tpu.dma_semaphore, #tpu.memory_space<semaphore_mem>>
        %dma_start3A_105 = arith.constant 9600 : i32
        %dma_start3A_106 = arith.constant 0 : i32
        %dma_start3A_107 = tpu.memref_slice %arg8[%arg0, %dma_start3A_105, %dma_start3A_106] : memref<2x10000x8xf32, #tpu.memory_space<hbm>> -> memref<1x400x8xf32, #tpu.memory_space<hbm>>
        %dma_start3A_108 = tpu.memref_squeeze %dma_start3A_107 : memref<1x400x8xf32, #tpu.memory_space<hbm>> -> memref<400x8xf32, #tpu.memory_space<hbm>>
        %dma_start3A_109 = arith.constant 9600 : i32
        %dma_start3A_110 = arith.constant 0 : i32
        %dma_start3A_111 = tpu.memref_slice %arg15[%dma_start3A_109, %dma_start3A_110] : memref<10000x8xf32, #tpu.memory_space<vmem_shared>> -> memref<400x8xf32, #tpu.memory_space<vmem_shared>>
        tpu.enqueue_dma source(%dma_start3A_111 : memref<400x8xf32, #tpu.memory_space<vmem_shared>>) target(%dma_start3A_108 : memref<400x8xf32, #tpu.memory_space<hbm>>) target_semaphore(%run_scoped3A : memref<!tpu.dma_semaphore, #tpu.memory_space<semaphore_mem>>)
        %dma_wait3A_112 = arith.constant 9600 : i32
        %dma_wait3A_113 = arith.constant 0 : i32
        %dma_wait3A_114 = tpu.memref_slice %arg8[%arg0, %dma_wait3A_112, %dma_wait3A_113] : memref<2x10000x8xf32, #tpu.memory_space<hbm>> -> memref<1x400x8xf32, #tpu.memory_space<hbm>>
        %dma_wait3A_115 = tpu.memref_squeeze %dma_wait3A_114 : memref<1x400x8xf32, #tpu.memory_space<hbm>> -> memref<400x8xf32, #tpu.memory_space<hbm>>
        %dma_wait3A_116 = arith.constant 9600 : i32
        %dma_wait3A_117 = arith.constant 0 : i32
        %dma_wait3A_118 = tpu.memref_slice %arg15[%dma_wait3A_116, %dma_wait3A_117] : memref<10000x8xf32, #tpu.memory_space<vmem_shared>> -> memref<400x8xf32, #tpu.memory_space<vmem_shared>>
        tpu.wait_dma2 semaphore(%run_scoped3A : memref<!tpu.dma_semaphore, #tpu.memory_space<semaphore_mem>>) src(%dma_wait3A_118 : memref<400x8xf32, #tpu.memory_space<vmem_shared>>) dst(%dma_wait3A_115 : memref<400x8xf32, #tpu.memory_space<hbm>>)
        tpu.yield
      }) : () -> ()
    } else {
    }
    return
  }
}

module attributes {stable_mosaic.version = 14 : i64} {
  func.func @_mlp_body(%arg0: i32, %arg1: memref<640x256xf32, #tpu.memory_space<vmem>>, %arg2: memref<256x256xbf16, #tpu.memory_space<vmem>>, %arg3: memref<256x256xbf16, #tpu.memory_space<vmem>>, %arg4: memref<256x256xbf16, #tpu.memory_space<vmem>>, %arg5: memref<256x256xbf16, #tpu.memory_space<vmem>>, %arg6: memref<1x256xf32, #tpu.memory_space<vmem>>, %arg7: memref<8x256xf32, #tpu.memory_space<vmem>>, %arg8: memref<640x1xf32, #tpu.memory_space<vmem>>) attributes {dimension_semantics = [#tpu.dimension_semantics<arbitrary>], iteration_bounds = array<i64: 250>, scalar_prefetch = 0 : i64, scratch_operands = 0 : i64, tpu.core_type = #tpu.core_type<tc>, window_params = [{transform_indices = @transform_0, window_bounds = array<i64: 640, 256>}, {pipeline_mode = #tpu.pipeline_mode<synchronous>, transform_indices = @transform_1, window_bounds = array<i64: 256, 256>}, {pipeline_mode = #tpu.pipeline_mode<synchronous>, transform_indices = @transform_2, window_bounds = array<i64: 256, 256>}, {pipeline_mode = #tpu.pipeline_mode<synchronous>, transform_indices = @transform_3, window_bounds = array<i64: 256, 256>}, {pipeline_mode = #tpu.pipeline_mode<synchronous>, transform_indices = @transform_4, window_bounds = array<i64: 256, 256>}, {pipeline_mode = #tpu.pipeline_mode<synchronous>, transform_indices = @transform_5, window_bounds = array<i64: 1, 256>}, {pipeline_mode = #tpu.pipeline_mode<synchronous>, transform_indices = @transform_6, window_bounds = array<i64: 8, 256>}, {transform_indices = @transform_7, window_bounds = array<i64: 640, 1>}]} {
    %get3A = arith.constant 0 : index
    %get3A_0 = arith.constant 0 : index
    %get3A_1 = vector.load %arg1[%get3A, %get3A_0] : memref<640x256xf32, #tpu.memory_space<vmem>>, vector<640x256xf32>
    %convert_element_type3A = arith.truncf %get3A_1 : vector<640x256xf32> to vector<640x256xbf16>
    %get3A_2 = arith.constant 0 : index
    %get3A_3 = arith.constant 0 : index
    %get3A_4 = vector.load %arg2[%get3A_2, %get3A_3] : memref<256x256xbf16, #tpu.memory_space<vmem>>, vector<256x256xbf16>
    %dot_general3A = arith.constant dense<0.000000e+00> : vector<640x256xf32>
    %dot_general3A_5 = tpu.matmul %convert_element_type3A, %get3A_4, %dot_general3A {dimension_numbers = #tpu.dot_dimension_numbers<[1], [0], [0], [1], [0, 0, 1, 1], [], []>, transpose_lhs_hint = false} : vector<640x256xbf16>, vector<256x256xbf16>, vector<640x256xf32> -> vector<640x256xf32>
    %get3A_6 = arith.constant 0 : index
    %get3A_7 = arith.constant 0 : index
    %get3A_8 = vector.load %arg7[%get3A_6, %get3A_7] : memref<8x256xf32, #tpu.memory_space<vmem>>, vector<1x256xf32>
    %get3A_9 = vector.shape_cast %get3A_8 : vector<1x256xf32> to vector<256xf32>
    %broadcast_in_dim3A = vector.shape_cast %get3A_9 : vector<256xf32> to vector<1x256xf32>
    %add3A = vector.broadcast %broadcast_in_dim3A : vector<1x256xf32> to vector<640x256xf32>
    %add3A_10 = arith.addf %dot_general3A_5, %add3A : vector<640x256xf32>
    %tanh3A = math.tanh %add3A_10 : vector<640x256xf32>
    %mul3A = arith.mulf %add3A_10, %tanh3A : vector<640x256xf32>
    %add3A_11 = arith.addf %add3A_10, %mul3A : vector<640x256xf32>
    %convert_element_type3A_12 = arith.truncf %add3A_11 : vector<640x256xf32> to vector<640x256xbf16>
    %get3A_13 = arith.constant 0 : index
    %get3A_14 = arith.constant 0 : index
    %get3A_15 = vector.load %arg3[%get3A_13, %get3A_14] : memref<256x256xbf16, #tpu.memory_space<vmem>>, vector<256x256xbf16>
    %dot_general3A_16 = arith.constant dense<0.000000e+00> : vector<640x256xf32>
    %dot_general3A_17 = tpu.matmul %convert_element_type3A_12, %get3A_15, %dot_general3A_16 {dimension_numbers = #tpu.dot_dimension_numbers<[1], [0], [0], [1], [0, 0, 1, 1], [], []>, transpose_lhs_hint = false} : vector<640x256xbf16>, vector<256x256xbf16>, vector<640x256xf32> -> vector<640x256xf32>
    %get3A_18 = arith.constant 1 : index
    %get3A_19 = arith.constant 0 : index
    %get3A_20 = vector.load %arg7[%get3A_18, %get3A_19] : memref<8x256xf32, #tpu.memory_space<vmem>>, vector<1x256xf32>
    %get3A_21 = vector.shape_cast %get3A_20 : vector<1x256xf32> to vector<256xf32>
    %broadcast_in_dim3A_22 = vector.shape_cast %get3A_21 : vector<256xf32> to vector<1x256xf32>
    %add3A_23 = vector.broadcast %broadcast_in_dim3A_22 : vector<1x256xf32> to vector<640x256xf32>
    %add3A_24 = arith.addf %dot_general3A_17, %add3A_23 : vector<640x256xf32>
    %tanh3A_25 = math.tanh %add3A_24 : vector<640x256xf32>
    %mul3A_26 = arith.mulf %add3A_24, %tanh3A_25 : vector<640x256xf32>
    %add3A_27 = arith.addf %add3A_24, %mul3A_26 : vector<640x256xf32>
    %convert_element_type3A_28 = arith.truncf %add3A_27 : vector<640x256xf32> to vector<640x256xbf16>
    %get3A_29 = arith.constant 0 : index
    %get3A_30 = arith.constant 0 : index
    %get3A_31 = vector.load %arg4[%get3A_29, %get3A_30] : memref<256x256xbf16, #tpu.memory_space<vmem>>, vector<256x256xbf16>
    %dot_general3A_32 = arith.constant dense<0.000000e+00> : vector<640x256xf32>
    %dot_general3A_33 = tpu.matmul %convert_element_type3A_28, %get3A_31, %dot_general3A_32 {dimension_numbers = #tpu.dot_dimension_numbers<[1], [0], [0], [1], [0, 0, 1, 1], [], []>, transpose_lhs_hint = false} : vector<640x256xbf16>, vector<256x256xbf16>, vector<640x256xf32> -> vector<640x256xf32>
    %get3A_34 = arith.constant 2 : index
    %get3A_35 = arith.constant 0 : index
    %get3A_36 = vector.load %arg7[%get3A_34, %get3A_35] : memref<8x256xf32, #tpu.memory_space<vmem>>, vector<1x256xf32>
    %get3A_37 = vector.shape_cast %get3A_36 : vector<1x256xf32> to vector<256xf32>
    %broadcast_in_dim3A_38 = vector.shape_cast %get3A_37 : vector<256xf32> to vector<1x256xf32>
    %add3A_39 = vector.broadcast %broadcast_in_dim3A_38 : vector<1x256xf32> to vector<640x256xf32>
    %add3A_40 = arith.addf %dot_general3A_33, %add3A_39 : vector<640x256xf32>
    %tanh3A_41 = math.tanh %add3A_40 : vector<640x256xf32>
    %mul3A_42 = arith.mulf %add3A_40, %tanh3A_41 : vector<640x256xf32>
    %add3A_43 = arith.addf %add3A_40, %mul3A_42 : vector<640x256xf32>
    %convert_element_type3A_44 = arith.truncf %add3A_43 : vector<640x256xf32> to vector<640x256xbf16>
    %get3A_45 = arith.constant 0 : index
    %get3A_46 = arith.constant 0 : index
    %get3A_47 = vector.load %arg5[%get3A_45, %get3A_46] : memref<256x256xbf16, #tpu.memory_space<vmem>>, vector<256x256xbf16>
    %dot_general3A_48 = arith.constant dense<0.000000e+00> : vector<640x256xf32>
    %dot_general3A_49 = tpu.matmul %convert_element_type3A_44, %get3A_47, %dot_general3A_48 {dimension_numbers = #tpu.dot_dimension_numbers<[1], [0], [0], [1], [0, 0, 1, 1], [], []>, transpose_lhs_hint = false} : vector<640x256xbf16>, vector<256x256xbf16>, vector<640x256xf32> -> vector<640x256xf32>
    %get3A_50 = arith.constant 3 : index
    %get3A_51 = arith.constant 0 : index
    %get3A_52 = vector.load %arg7[%get3A_50, %get3A_51] : memref<8x256xf32, #tpu.memory_space<vmem>>, vector<1x256xf32>
    %get3A_53 = vector.shape_cast %get3A_52 : vector<1x256xf32> to vector<256xf32>
    %broadcast_in_dim3A_54 = vector.shape_cast %get3A_53 : vector<256xf32> to vector<1x256xf32>
    %add3A_55 = vector.broadcast %broadcast_in_dim3A_54 : vector<1x256xf32> to vector<640x256xf32>
    %add3A_56 = arith.addf %dot_general3A_49, %add3A_55 : vector<640x256xf32>
    %tanh3A_57 = math.tanh %add3A_56 : vector<640x256xf32>
    %mul3A_58 = arith.mulf %add3A_56, %tanh3A_57 : vector<640x256xf32>
    %add3A_59 = arith.addf %add3A_56, %mul3A_58 : vector<640x256xf32>
    %get3A_60 = arith.constant 0 : index
    %get3A_61 = arith.constant 0 : index
    %get3A_62 = vector.load %arg6[%get3A_60, %get3A_61] : memref<1x256xf32, #tpu.memory_space<vmem>>, vector<1x256xf32>
    %mul3A_63 = vector.broadcast %get3A_62 : vector<1x256xf32> to vector<640x256xf32>
    %mul3A_64 = arith.mulf %add3A_59, %mul3A_63 : vector<640x256xf32>
    %reduce_sum3A = arith.constant dense<0.000000e+00> : vector<640xf32>
    %reduce_sum3A_65 = vector.multi_reduction <add>, %mul3A_64, %reduce_sum3A [1] : vector<640x256xf32> to vector<640xf32>
    %broadcast_in_dim3A_66 = vector.shape_cast %reduce_sum3A_65 : vector<640xf32> to vector<640x1xf32>
    %get3A_67 = arith.constant 4 : index
    %get3A_68 = arith.constant 0 : index
    %get3A_69 = vector.load %arg7[%get3A_67, %get3A_68] : memref<8x256xf32, #tpu.memory_space<vmem>>, vector<1x1xf32>
    %get3A_70 = vector.extract %get3A_69[0, 0] : f32 from vector<1x1xf32>
    %add3A_71 = vector.broadcast %get3A_70 : f32 to vector<640x1xf32>
    %add3A_72 = arith.addf %broadcast_in_dim3A_66, %add3A_71 : vector<640x1xf32>
    %swap3A = arith.constant 0 : index
    %swap3A_73 = arith.constant 0 : index
    %swap3A_74 = vector.load %arg8[%swap3A, %swap3A_73] : memref<640x1xf32, #tpu.memory_space<vmem>>, vector<640x1xf32>
    tpu.vector_store %arg8[%swap3A, %swap3A_73], %add3A_72 {strides = array<i32>} : memref<640x1xf32, #tpu.memory_space<vmem>>, vector<640x1xf32>,
    return
  }
  func.func @transform_0(%arg0: i32) -> (i32, i32) {
    %c0_i32 = arith.constant 0 : i32
    %c0_i32_0 = arith.constant 0 : i32
    return %arg0, %c0_i32 : i32, i32
  }
  func.func @transform_1(%arg0: i32) -> (i32, i32) {
    %c0_i32 = arith.constant 0 : i32
    %c0_i32_0 = arith.constant 0 : i32
    %c0_i32_1 = arith.constant 0 : i32
    return %c0_i32, %c0_i32_0 : i32, i32
  }
  func.func @transform_2(%arg0: i32) -> (i32, i32) {
    %c0_i32 = arith.constant 0 : i32
    %c0_i32_0 = arith.constant 0 : i32
    %c0_i32_1 = arith.constant 0 : i32
    return %c0_i32, %c0_i32_0 : i32, i32
  }
  func.func @transform_3(%arg0: i32) -> (i32, i32) {
    %c0_i32 = arith.constant 0 : i32
    %c0_i32_0 = arith.constant 0 : i32
    %c0_i32_1 = arith.constant 0 : i32
    return %c0_i32, %c0_i32_0 : i32, i32
  }
  func.func @transform_4(%arg0: i32) -> (i32, i32) {
    %c0_i32 = arith.constant 0 : i32
    %c0_i32_0 = arith.constant 0 : i32
    %c0_i32_1 = arith.constant 0 : i32
    return %c0_i32, %c0_i32_0 : i32, i32
  }
  func.func @transform_5(%arg0: i32) -> (i32, i32) {
    %c0_i32 = arith.constant 0 : i32
    %c0_i32_0 = arith.constant 0 : i32
    %c0_i32_1 = arith.constant 0 : i32
    return %c0_i32, %c0_i32_0 : i32, i32
  }
  func.func @transform_6(%arg0: i32) -> (i32, i32) {
    %c0_i32 = arith.constant 0 : i32
    %c0_i32_0 = arith.constant 0 : i32
    %c0_i32_1 = arith.constant 0 : i32
    return %c0_i32, %c0_i32_0 : i32, i32
  }
  func.func @transform_7(%arg0: i32) -> (i32, i32) {
    %c0_i32 = arith.constant 0 : i32
    %c0_i32_0 = arith.constant 0 : i32
    return %arg0, %c0_i32 : i32, i32
  }
}

module attributes {stable_mosaic.version = 14 : i64} {
  func.func @_reduce_body(%arg0: memref<2x10000x8xf32, #tpu.memory_space<vmem>>, %arg1: memref<10000x8xf32, #tpu.memory_space<vmem>>) attributes {dimension_semantics = [], scalar_prefetch = 0 : i64, scratch_operands = 0 : i64, tpu.core_type = #tpu.core_type<tc>} {
    %get3A = arith.constant 0 : index
    %get3A_0 = arith.constant 0 : index
    %get3A_1 = arith.constant 0 : index
    %get3A_2 = vector.load %arg0[%get3A, %get3A_0, %get3A_1] : memref<2x10000x8xf32, #tpu.memory_space<vmem>>, vector<1x10000x8xf32>
    %get3A_3 = vector.shape_cast %get3A_2 : vector<1x10000x8xf32> to vector<10000x8xf32>
    %get3A_4 = arith.constant 1 : index
    %get3A_5 = arith.constant 0 : index
    %get3A_6 = arith.constant 0 : index
    %get3A_7 = vector.load %arg0[%get3A_4, %get3A_5, %get3A_6] : memref<2x10000x8xf32, #tpu.memory_space<vmem>>, vector<1x10000x8xf32>
    %get3A_8 = vector.shape_cast %get3A_7 : vector<1x10000x8xf32> to vector<10000x8xf32>
    %add3A = arith.addf %get3A_3, %get3A_8 : vector<10000x8xf32>
    %swap3A = arith.constant 0 : index
    %swap3A_9 = arith.constant 0 : index
    %swap3A_10 = vector.load %arg1[%swap3A, %swap3A_9] : memref<10000x8xf32, #tpu.memory_space<vmem>>, vector<10000x8xf32>
    tpu.vector_store %arg1[%swap3A, %swap3A_9], %add3A {strides = array<i32>} : memref<10000x8xf32, #tpu.memory_space<vmem>>, vector<10000x8xf32>,
    return
  }
}

</mosaic_0001>

<sc_bundles>
// kernel: kernel.5.cloned.1.call-start
scs
__scs_entry_jumppad:
0x0: {  	(pc) =	sbr.rel $0x88, $3  }
0x1: {  	(tag) =	ssettag $0x0;
	lr =	simm.s32 $0x1  }
0x2: {  	[smem:$0x3F94] =	sst lr;
	_ =	strace $0xD0000000  }
0x3: {  	_ = 	snop  }
0x4: {  	_ = 	snop  }
0x5: {  	_ = 	snop  }
0x6: {  	_ = 	snop  }
0x7: {  	_ = 	snop  }
__scs_overlays_trampoline_lowered:
0x8: {  	[smem:$0x3FA3] =	sst s0  }
0x9: {  	[smem:$0x3FA4] =	sst s1  }
0xa: {  	[smem:$0x3FA5] =	sst s2  }
0xb: {  	[smem:$0x3FA6] =	sst s3  }
0xc: {  	[smem:$0x3FA7] =	sst s4  }
0xd: {  	[smem:$0x3FA8] =	sst s5  }
0xe: {  	[smem:$0x3FA9] =	sst s6  }
0xf: {  	[smem:$0x3FAA] =	sst s7  }
0x10: {  	[smem:$0x3FAB] =	sst s8  }
0x11: {  	[smem:$0x3FAC] =	sst s9;
	s0 =	simm.s32 @!p0 $0x0  }
0x12: {  	s1 =	sld [smem:$0x3F92];
	s0 =	simm.s32 @p0 $0x1  }
0x13: {  	[smem:$0x3FAD] =	sst s0;
	s0 =	simm.s32 @!p1 $0x0  }
0x14: {  	s2 =	sld [smem:$0x3F91];
	s0 =	simm.s32 @p1 $0x1  }
0x15: {  	[smem:$0x3FAE] =	sst s0;
	s0 =	simm.s32 @!p2 $0x0  }
0x16: {  	s3 =	sld [smem:$0x3FDB];
	s0 =	simm.s32 @p2 $0x1  }
0x17: {  	s4 =	simm.s32 $0x1BF5;
	[smem:$0x3FB0] =	sst s0  }
0x18: {  	s0 =	sld [smem:$0x3F93];
	_ =	swait.ge [sflag:s4], $0x0  }
0x19: {  	s7 =	sld [smem:$0x3F94]  }
0x1a: {  	s8 =	sadd.s32 $0xFFFFE003, lr  }
0x1b: {  	s9 =	sadd.s32 $0xFFFFFEF7, lr;
	s5 =	simm.s32 $0xFFFFFFFF;
	p2 =	slt.u32 s8, $0xFFFFF086  }
0x1c: {  	p1 =	slt.u32 s9, $0xF7A;
	s5 =	simm.s32 @!p2 $0x0  }
0x1d: {  	s5 =	simm.s32 @p1 $0x1;
	p0 =	seq.s32 s7, s2  }
0x1e: {  	s7 =	smul.u32 @!p0 $0xF7A, s2;
	p2 =	seq.s32 @!p0 s5, $0x0  }
0x1f: {  	s9 =	smul.u32 $0xF7A, s1;
	s8 =	simm.s32 @!p0 $0x1BF5;
	p2 =	por !p2, p0  }
0x20: {  	[sflag:s8] =	ssyncset.s32 @!p0 $0xFFFFF086;
	s6 =	sadd.s32 @!p0 s3, s7;
	s7 =	simm.s32 @!p0 $0x108  }
0x21: {  	s3 =	sadd.s32 s3, s9;
	s6 =	sadd.s32 @!p0 $0x88, s6;
	s7 =	simm.s32 @p2 $0x1082  }
0x22: {  	[simem:s7], [sflag:s8] =	dma.local @!p0 [hbm:s6], $0xF7A  }
0x23: {  	s9 =	sor.u32 $0xD0000000, s2;
	s6 =	simm.s32 $0x108;
	_ =	swait.ge @!p0 [sflag:s8], $0x0  }
0x24: {  	s3 =	sadd.s32 $0x88, s3;
	s6 =	simm.s32 @!p1 $0x1082;
	[sflag:s4] =	ssyncset.s32 $0xFFFFF086  }
0x25: {  	[simem:s6], [sflag:s4] =	dma.local [hbm:s3], $0xF7A  }
0x26: {  	[smem:$0x3F94] =	sst s1;
	(tag) =	ssettag s2;
	_ =	strace s9  }
0x27: {  	s1 =	sld [smem:$0x3FA4]  }
0x28: {  	s2 =	sld [smem:$0x3FA5]  }
0x29: {  	s4 =	sld [smem:$0x3FA7]  }
0x2a: {  	p0 =	seq.s32 s5, $0x0;
	s5 =	sld [smem:$0x3FA8]  }
0x2b: {  	s6 =	sld [smem:$0x3FA9]  }
0x2c: {  	s7 =	sld [smem:$0x3FAA]  }
0x2d: {  	s3 =	simm.s32 $0x108;
	s8 =	sld [smem:$0x3FAB]  }
0x2e: {  	s3 =	simm.s32 @!p0 $0x1082;
	s9 =	sld [smem:$0x3FAC]  }
0x2f: {  	lr =	sadd.s32 s0, s3;
	s0 =	sld [smem:$0x3FA3]  }
0x30: {  	s3 =	sld [smem:$0x3FA6]  }
0x31: {  	[smem:$0x3FAF] =	sst s10  }
0x32: {  	s10 =	sld [smem:$0x3FAD];
	_ =	sdelay $0x3  }
0x33: {  	p0 =	seq.s32 s10, $0x1;
	s10 =	sld [smem:$0x3FAF];
	_ =	sdelay $0x3  }
0x34: {  	[smem:$0x3FAF] =	sst s10  }
0x35: {  	s10 =	sld [smem:$0x3FAE];
	_ =	sdelay $0x3  }
0x36: {  	p1 =	seq.s32 s10, $0x1;
	s10 =	sld [smem:$0x3FAF];
	_ =	sdelay $0x3  }
0x37: {  	[smem:$0x3FAF] =	sst s10  }
0x38: {  	s10 =	sld [smem:$0x3FB0]  }
0x39: {  	_ = 	snop;
	(pc) =	sbr.ind lr, $3  }
0x3a: {  	_ = 	snop  }
0x3b: {  	_ = 	snop  }
0x3c: {  	p2 =	seq.s32 s10, $0x1;
	s10 =	sld [smem:$0x3FAF]  }
0x3d: {  	_ =	shalt  }
0x3e: {  	_ =	shalt  }
0x3f: {  	_ =	shalt  }
0x40: {  	_ =	shalt  }
0x41: {  	_ =	shalt  }
0x42: {  	_ =	shalt  }
0x43: {  	_ =	shalt  }
0x44: {  	_ =	shalt  }
0x45: {  	_ =	shalt  }
0x46: {  	_ =	shalt  }
0x47: {  	_ =	shalt  }
0x48: {  	_ =	shalt  }
0x49: {  	_ =	shalt  }
0x4a: {  	_ =	shalt  }
0x4b: {  	_ =	shalt  }
0x4c: {  	_ =	shalt  }
0x4d: {  	_ =	shalt  }
0x4e: {  	_ =	shalt  }
0x4f: {  	_ =	shalt  }
0x50: {  	_ =	shalt  }
0x51: {  	_ =	shalt  }
0x52: {  	_ =	shalt  }
0x53: {  	_ =	shalt  }
0x54: {  	_ =	shalt  }
0x55: {  	_ =	shalt  }
0x56: {  	_ =	shalt  }
0x57: {  	_ =	shalt  }
0x58: {  	_ =	shalt  }
0x59: {  	_ =	shalt  }
0x5a: {  	_ =	shalt  }
0x5b: {  	_ =	shalt  }
0x5c: {  	_ =	shalt  }
0x5d: {  	_ =	shalt  }
0x5e: {  	_ =	shalt  }
0x5f: {  	_ =	shalt  }
0x60: {  	_ =	shalt  }
0x61: {  	_ =	shalt  }
0x62: {  	_ =	shalt  }
0x63: {  	_ =	shalt  }
0x64: {  	_ =	shalt  }
0x65: {  	_ =	shalt  }
0x66: {  	_ =	shalt  }
0x67: {  	_ =	shalt  }
0x68: {  	_ =	shalt  }
0x69: {  	_ =	shalt  }
0x6a: {  	_ =	shalt  }
0x6b: {  	_ =	shalt  }
0x6c: {  	_ =	shalt  }
0x6d: {  	_ =	shalt  }
0x6e: {  	_ =	shalt  }
0x6f: {  	_ =	shalt  }
0x70: {  	_ =	shalt  }
0x71: {  	_ =	shalt  }
0x72: {  	_ =	shalt  }
0x73: {  	_ =	shalt  }
0x74: {  	_ =	shalt  }
0x75: {  	_ =	shalt  }
0x76: {  	_ =	shalt  }
0x77: {  	_ =	shalt  }
0x78: {  	_ =	shalt  }
0x79: {  	_ =	shalt  }
0x7a: {  	_ =	shalt  }
0x7b: {  	_ =	shalt  }
0x7c: {  	_ =	shalt  }
0x7d: {  	_ =	shalt  }
0x7e: {  	_ =	shalt  }
0x7f: {  	_ =	shalt  }
0x80: {  	_ =	shalt  }
0x81: {  	_ =	shalt  }
0x82: {  	_ =	shalt  }
0x83: {  	_ =	shalt  }
0x84: {  	_ =	shalt  }
0x85: {  	_ =	shalt  }
0x86: {  	_ =	shalt  }
0x87: {  	_ =	shalt  }
.Lfunc_end0:
.L_simem_size_0:
called_computation_lowered:
.L_overlay_start_0:
0x88: {  	s2 =	sld [smem:$0x3FD9]  }
0x89: {  	s3 =	sld [smem:$0x3FFE];
	_ =	sdelay $0x1  }
0x8a: {  	s1 =	srdreg.scid  }
0x8b: {  	s0 =	sand.u32 $0x1, s1  }
0x8c: {  	s16 =	sshll.u32 s0, $0xA;
	s2 =	sadd.s32 s3, s2  }
0x8d: {  	s2 =	sadd.s32 s2, s16  }
0x8e: {  	[smem:$0x3FBB] =	sst s2  }
0x8f: {  	_ = 	snop  }
0x90: {  	(tm) =	ssettm $0x1  }
0x91: {  	s17 =	sld [smem:$0x3FFB];
	_ =	sdelay $0x3  }
0x92: {  	_ =	strace s17  }
0x93: {  	s2 =	sld [smem:$0x3FFC];
	_ =	sdelay $0x3  }
0x94: {  	_ =	strace s2  }
0x95: {  	s2 =	sld [smem:$0x3FFD];
	_ =	sdelay $0x3  }
0x96: {  	_ =	strace s2  }
0x97: {  	_ =	strace $0x8FFFFFFF  }
0x98: {  	s18 =	sld [smem:$0x3FDB];
	_ =	sdelay $0x1  }
0x99: {  	s19 =	simm.s32 $_scs_section_size  }
0x9a: {  	s4 =	simm.s32 $_size__tile_overlayer_lowered;
	s5 =	simm.s32 $_tile_overlayer_lowered  }
0x9b: {  	s22 =	simm.s32 $0x1BFF;
	s21 =	sshll.u32 s5, $0x1;
	s2 =	sadd.s32 s19, s18  }
0x9c: {  	s6 =	simm.s32 $0x0;
	s20 =	sshll.u32 s4, $0x1;
	s4 =	sadd.s32 s21, s2  }
0x9d: {  	[timem:s6], [sflag:s22] =	dma.local [hbm:s4], s20  }
0x9e: {  	_ =	swait.ge [sflag:s22], s20  }
0x9f: {  	s3 =	ssub.s32 $0x0, s20;
	[sflag:s22] =	ssyncset.done $0x0  }
0xa0: {  	[sflag:s22] =	ssyncadd.s32 s3;
	_ =	sdelay $0x1  }
0xa1: {  	s23 =	simm.s32 $0x1B8B  }
0xa2: {  	_ =	swait.ge [sflag:s23], $0x1  }
0xa3: {  	[sflag:s23] =	ssyncset.done $0x0  }
0xa4: {  	s25 =	simm.s32 $0x1B8E;
	s24 =	sld [smem:$0x3FFE];
	[sflag:s23] =	ssyncadd.s32 $0xFFFFFFFF  }
0xa5: {  	s26 =	simm.s32 $execute0_lowered;
	[smem:$0x3FD2] =	sst s25  }
0xa6: {  	s4 =	sshll.u32 s26, $0x1;
	_ =	strace $0x80000046;
	[dreg:$0x1] =	wrdreg $0xFFFFFFFF  }
0xa7: {  	s28 =	simm.s32 $_size_execute0_lowered;
	s2 =	sadd.s32 s2, s4;
	[dreg:$0x0] =	wrdreg $0x0  }
0xa8: {  	s4 =	sshll.u32 s28, $0x1;
	[dreg:$0x2] =	wrdreg s2  }
0xa9: {  	[dreg:$0x3] =	wrdreg s4  }
0xaa: {  	[dreg:$0x4] =	wrdreg $0xC0  }
0xab: {  	_ =	task [dreg:s6], $0x5FFFF  }
0xac: {  	[dreg:$0x1] =	wrdreg $0xFFFFFFFF  }
0xad: {  	[dreg:$0x0] =	wrdreg $0x60  }
0xae: {  	[dreg:$0x2] =	wrdreg s24  }
0xaf: {  	[dreg:$0x3] =	wrdreg $0xFF100  }
0xb0: {  	[dreg:$0x4] =	wrdreg $0x9  }
0xb1: {  	_ =	task.clear_ibuf [dreg:s6], $0x5FFFF;
	_ =	strace $0x90000046  }
0xb2: {  	s29 =	simm.s32 $0x9;
	_ =	strace $0x80000048  }
0xb3: {  	_ =	swait.ge [sflag:s29], $0x1  }
0xb4: {  	[sflag:s29] =	ssyncadd.s32 $0xFFFFFFFF  }
0xb5: {  	_ =	strace $0x90000048  }
0xb6: {  	_ =	sfence  }
0xb7: {  	s30 =	sld [smem:$0x0];
	_ =	sdelay $0x2  }
0xb8: {  	s31 =	sshll.u32 s1, $0xD;
	s1 =	sshrl.u32 s1, $0x2  }
0xb9: {  	s3 =	sand.u32 $0x4000, s31;
	s1 =	sadd.s32 s1, s30  }
0xba: {  	s0 =	sor.u32 s3, s0;
	s1 =	sshll.u32 s1, $0x11  }
0xbb: {  	s0 =	sor.u32 s1, s0  }
0xbc: {  	s0 =	sadd.s32 $0x8F2B, s0  }
0xbd: {  	[sflag:s0] =	ssyncadd.remote.s32 $0x1  }
0xbe: {  	_ =	sfence.sel $0xFFFF  }
0xbf: {  	[dreg:$0x0] =	wrdreg $0xFFFFFFFF;
	(pc) =	sbr.abs _section_cstart, $3  }
0xc0: {  	[dreg:$0x1] =	wrdreg $0xFFFFFFFF  }
0xc1: {  	_ =	task.clear_ibuf [dreg:s6], $0x2FFFF;
	_ =	strace $0x9FFFFFFF  }
0xc2: {  	(tm) =	ssettm $0x7FFFFFFF  }
0xc3: {  	_ =	shalt  }
tec
execute0_lowered:
.L_overlay_start_1:
0x0: {  	(tag) =	ssettag $0x1  }
0x1: {  	s6 =	rddreg [dreg:$0x0]  }
0x2: {  	s2 =	rddreg [dreg:$0x1];
	s3 =	srdreg.scid  }
0x3: {  	s1 =	stileid.u32;
	s0 =	rddreg [dreg:$0x2];
	s17 =	simm.s32 $0x4E40  }
0x4: {  	s18 =	simm.s32 $0x1;
	s19 =	simm.s32 $0x6290;
	s20 =	simm.s32 $0x64  }
0x5: {  	s21 =	simm.s32 $0x0;
	s7 =	sand.u32 $0x1, s3;
	s4 =	sshll.u32 s1, $0x1  }
0x6: {  	s3 =	simm.s32 $0x0;
	s11 =	smul.u32 $0x1400, s1;
	s12 =	sadd.s32 $0x16A00, s6  }
0x7: {  	s14 =	sadd.s32 $0x12C00, s2;
	p0 =	seq.s32 s1, $0xF;
	s4 =	sor.u32 s7, s4  }
0x8: {  	[smem:$0x7FF] =	sst s3;
	s9 =	ssub.s32 $0x2, s7;
	s15 =	smul.u32 $0x13880, s7  }
0x9: {  	s14 =	sshrl.u32 @p0 s14, $0x3;
	s5 =	smul.u32 $0x28A, s4;
	_ =	strace $0x80000047  }
0xa: {  	s8 =	sshrl.u32 s11, $0x3;
	s30 =	sshrl.u32 s9, $0x1;
	s31 =	smul.u32 $0x271, s4  }
0xb: {  	s16 =	sadd.s32 s11, s2;
	s29 =	sadd.s32 s8, s6;
	s13 =	ssub.s32 s9, s30  }
0xc: {  	s11 =	sadd.s32 s11, s15;
	s15 =	sshrl.u32 s15, $0x3;
	s16 =	sshrl.u32 @!p0 s16, $0x3  }
0xd: {  	s10 =	sadd.s32 s5, s6;
	s4 =	sadd.s32 $0x14200, s29;
	s5 =	sadd.s32 $0x16780, s6  }
0xe: {  	s6 =	sadd.s32 s6, s31;
	s11 =	sshrl.u32 s11, $0x3;
	s15 =	sadd.s32 s12, s15  }
0xf: {  	s13 =	smax.u32 s13, $0x1;
	s7 =	sadd.s32 $0x285200, s6;
	s8 =	sadd.s32 $0xA000, s6  }
0x10: {  	v0 =	vlaneseq.u32;
	s11 =	sadd.s32 s12, s11;
	s12 =	sadd.s32 $0x2580, s15;
	s15 =	sshll.u32 @!p0 s1, $0x6  }
0x11: {  	v0 =	vmul.u32 $0x8, v0;
	s9 =	sadd.s32 $0x5000, s6;
	s10 =	sadd.s32 $0xF000, s10;
	s15 =	sor.u32 @!p0 $0x1C02, s15  }
.LBB2_1:
0x12: {  	s22 =	simm.s32 @p0 $0x1FC2  }
0x13: {  	[spmem:s14], [sflag:s22] =	dma.local @p0 [hbm:s5], $0x190  }
0x14: {  	s22 =	simm.s32 @p0 $0x2  }
0x15: {  	_ =	swait.ge @p0 [sflag:s22], $0x190  }
0x16: {  	[sflag:s22] =	ssyncset.done @p0 $0x0  }
0x17: {  	[sflag:s22] =	ssyncadd.s32 @p0 $0xFFFFFE70;
	s22 =	simm.s32 @!p0 $0x2  }
0x18: {  	[spmem:s16], [sflag:s15] =	dma.local @!p0 [hbm:s4], $0x280  }
0x19: {  	_ =	swait.ge @!p0 [sflag:s22], $0x280  }
0x1a: {  	[sflag:s22] =	ssyncset.done @!p0 $0x0  }
0x1b: {  	[sflag:s22] =	ssyncadd.s32 @!p0 $0xFFFFFD80  }
0x1c: {  	[tilespmem:s3], [sflag:$0x1] =	stream.linear.gather [hbm4b:s7+s3], $0x1388, $0x38;
	[tilespmem:$0x11298] =	vst v63  }
0x1d: {  	s22 =	simm.s32 $0x1390  }
0x1e: {  	[tilespmem:s22], [sflag:$0x1] =	stream.linear.gather [hbm4b:s8+s3], $0x1388, $0x38;
	[tilespmem:$0x11298] =	vst v63  }
0x1f: {  	s23 =	simm.s32 $0x2720  }
0x20: {  	[tilespmem:s23], [sflag:$0x1] =	stream.linear.gather [hbm4b:s9+s3], $0x1388, $0x38;
	[tilespmem:$0x11298] =	vst v63  }
0x21: {  	s24 =	simm.s32 $0x3AB0  }
0x22: {  	[tilespmem:s24], [sflag:$0x1] =	stream.linear.gather [hbm4b:s6+s3], $0x1388, $0x38;
	[tilespmem:$0x11298] =	vst v63  }
0x23: {  	_ = 	snop  }
0x24: {  	[tilespmem:s17], [sflag:$0x1] =	stream.linear.gather [hbm4b:s10+s3], $0x1450, $0x38;
	[tilespmem:$0x11298] =	vst v63  }
0x25: {  	_ =	swait.ge [sflag:s18], $0x1388  }
0x26: {  	[sflag:s18] =	ssyncset.done $0x0  }
0x27: {  	[sflag:s18] =	ssyncadd.s32 $0xFFFFEC78  }
0x28: {  	_ =	swait.ge [sflag:s18], $0x1388  }
0x29: {  	[sflag:s18] =	ssyncset.done $0x0  }
0x2a: {  	[sflag:s18] =	ssyncadd.s32 $0xFFFFEC78  }
0x2b: {  	_ =	swait.ge [sflag:s18], $0x1388  }
0x2c: {  	[sflag:s18] =	ssyncset.done $0x0  }
0x2d: {  	[sflag:s18] =	ssyncadd.s32 $0xFFFFEC78  }
0x2e: {  	_ =	swait.ge [sflag:s18], $0x1388  }
0x2f: {  	[sflag:s18] =	ssyncset.done $0x0  }
0x30: {  	[sflag:s18] =	ssyncadd.s32 $0xFFFFEC78  }
0x31: {  	_ =	swait.ge [sflag:s18], $0x1450  }
0x32: {  	[sflag:s18] =	ssyncset.done $0x0  }
0x33: {  	[sflag:s18] =	ssyncadd.s32 $0xFFFFEBB0  }
0x34: {  	v1 =	vld [tilespmem:s22+$0x0]  }
0x35: {  	v2 =	vmov s3;
	v3 =	vld [tilespmem:s3+$0x0]  }
0x36: {  	v2 =	vshll.u32 v2, $0x3  }
0x37: {  	v2 =	vor.u32 v0, v2;
	_ =	sdelay $0x2  }
0x38: {  	v1 =	vmul.f32 v1, v3;
	_ =	sdelay $0x1  }
0x39: {  	[tilespmem:v2+s19+$0x0] =	vst.idx.msk $0xffff, v1  }
0x3a: {  	v1 =	vld [tilespmem:s23+$0x0];
	_ =	sdelay $0x1  }
0x3b: {  	v4 =	vor.u32 $0x1, v2;
	_ =	sdelay $0x2  }
0x3c: {  	v1 =	vmul.f32 v1, v3;
	_ =	sdelay $0x1  }
0x3d: {  	[tilespmem:v4+s19+$0x0] =	vst.idx.msk $0xffff, v1  }
0x3e: {  	v4 =	vld [tilespmem:s24+$0x0];
	_ =	sdelay $0x1  }
0x3f: {  	v1 =	vor.u32 $0x2, v2;
	_ =	sdelay $0x2  }
0x40: {  	v2 =	vmul.f32 v4, v3  }
0x41: {  	s25 =	simm.s32 $0x3AC0;
	s26 =	simm.s32 $0x0;
	s24 =	simm.s32 $0x10  }
.LBB2_2:
0x42: {  	[tilespmem:v1+s19+$0x0] =	vst.idx.msk $0xffff, v2;
	s26 =	sadd.s32 $0x10, s26;
	s22 =	sadd.s32 $0x10, s22;
	s23 =	sadd.s32 $0x10, s23  }
0x43: {  	p1 =	sne.s32 s24, $0x1380;
	s28 =	smov.u32 s24;
	s24 =	sadd.s32 $0x10, s24;
	v1 =	vld [tilespmem:s22+$0x0]  }
0x44: {  	v2 =	vmov s28;
	v3 =	vld [tilespmem:s26+$0x0]  }
0x45: {  	v2 =	vshll.u32 v2, $0x3  }
0x46: {  	v2 =	vor.u32 v0, v2;
	_ =	sdelay $0x2  }
0x47: {  	v1 =	vmul.f32 v1, v3;
	_ =	sdelay $0x1  }
0x48: {  	[tilespmem:v2+s19+$0x0] =	vst.idx.msk $0xffff, v1  }
0x49: {  	v1 =	vld [tilespmem:s23+$0x0];
	_ =	sdelay $0x1  }
0x4a: {  	v4 =	vor.u32 $0x1, v2;
	_ =	sdelay $0x2  }
0x4b: {  	v1 =	vmul.f32 v1, v3;
	_ =	sdelay $0x1  }
0x4c: {  	[tilespmem:v4+s19+$0x0] =	vst.idx.msk $0xffff, v1  }
0x4d: {  	v4 =	vld [tilespmem:s25+$0x0];
	_ =	sdelay $0x1  }
.Ltmp0:
0x4e: {  	v1 =	vor.u32 $0x2, v2;
	(pc) =	sbr.rel @p1 .LBB2_2-.Ltmp0, $3  }
0x4f: {  	_ =	sdelay $0x1  }
0x50: {  	v2 =	vmul.f32 v4, v3  }
0x51: {  	s25 =	sadd.s32 $0x10, s25  }
0x52: {  	_ =	sdelay $0x3  }
0x53: {  	[tilespmem:v1+s19+$0x0] =	vst.idx.msk $0xffff, v2  }
0x54: {  	s22 =	simm.s32 $0x0;
	s23 =	simm.s32 $0x6290;
	[bflag:$0x0] =	sbarrier.arrive $0xFFFF  }
.LBB2_4:
0x55: {  	p1 =	sne.s32 s22, $0x4FA0  }
.Ltmp1:
0x56: {  	_ = 	snop;
	(pc) =	sbr.rel @p1 .LBB2_4-.Ltmp1, $4  }
0x57: {  	s24 =	sshra.s32 s22, $0x2  }
0x58: {  	s24 =	sadd.s32 $0x4E40, s24  }
0x59: {  	[spmem:s2] =	stream.indirect.scatter.add.f32 [tilespmem:s23], [sflag:$0x1], $0x8, s24, s20, $0xb8;
	[tilespmem:$0x11298] =	vst v63  }
0x5a: {  	s22 =	sadd.s32 $0x1A0, s22;
	s23 =	sadd.s32 $0x320, s23  }
0x5b: {  	_ =	swait.ge [sflag:s18], $0x320  }
0x5c: {  	s22 =	simm.s32 $0x31;
	[sflag:s18] =	ssyncset.done $0x0  }
.LBB2_6:
0x5d: {  	p1 =	sne.s32 s22, $0x1;
	s22 =	sadd.s32 $0xFFFFFFFF, s22;
	[sflag:s18] =	ssyncadd.s32 $0xFFFFFCE0  }
.Ltmp2:
0x5e: {  	(pc) =	sbr.rel @p1 .LBB2_6-.Ltmp2, $3  }
0x5f: {  	_ =	sdelay $0x1  }
0x60: {  	_ =	swait.ge [sflag:s18], $0x320  }
0x61: {  	[sflag:s18] =	ssyncset.done $0x0  }
0x62: {  	[sflag:s18] =	ssyncadd.s32 $0xFFFFFCE0  }
0x63: {  	s22 =	simm.s32 @p0 $0x1FC2;
	[bflag:$0x0] =	sbarrier.arrive $0xFFFF  }
0x64: {  	[hbm:s12], [sflag:s22] =	dma.local @p0 [spmem:s14], $0x190  }
0x65: {  	s22 =	simm.s32 @p0 $0x2  }
0x66: {  	s21 =	sadd.s32 $0x1, s21;
	_ =	swait.ge @p0 [sflag:s22], $0x190  }
0x67: {  	p1 =	sne.s32 s21, s13;
	[sflag:s22] =	ssyncset.done @p0 $0x0  }
.Ltmp3:
0x68: {  	[sflag:s22] =	ssyncadd.s32 @p0 $0xFFFFFE70;
	s22 =	simm.s32 @!p0 $0x2;
	(pc) =	sbr.rel @p1 .LBB2_1-.Ltmp3, $4  }
0x69: {  	[hbm:s11], [sflag:s15] =	dma.local @!p0 [spmem:s16], $0x280  }
0x6a: {  	_ =	swait.ge @!p0 [sflag:s22], $0x280  }
0x6b: {  	[sflag:s22] =	ssyncset.done @!p0 $0x0  }
0x6c: {  	[sflag:s22] =	ssyncadd.s32 @!p0 $0xFFFFFD80  }
0x6d: {  	_ =	sfence.sel $0x180000  }
0x6e: {  	[bflag:$0x0] =	sbarrier.arrive $0xFFFF  }
0x6f: {  	p0 =	sne.s32 s1, $0x0;
	_ =	strace $0x90000047  }
0x70: {  	s0 =	sadd.s32 @!p0 $0x100000, s0;
	[bflag:$0x2] =	sbarrier.arrive $0xFFFF  }
0x71: {  	[sflag:s0] =	ssyncadd.tile.s32 @!p0 $0x1;
	_ =	shalt  }
.Lfunc_end2:
_tile_overlayer_lowered:
.L_overlay_start_2:
0x72: {  	(tag) =	ssettag $0x2  }
0x73: {  	s0 =	rddreg [dreg:$0x0];
	s2 =	stileid.u32  }
0x74: {  	s1 =	rddreg [dreg:$0x1];
	p0 =	sne.s32 s2, $0x0  }
0x75: {  	s3 =	rddreg [dreg:$0x2];
	[bflag:$0x3] =	sbarrier.arrive $0xFFFF;
	s2 =	simm.s32 @!p0 $0x1C02  }
0x76: {  	[timem:s3], [sflag:s2] =	dma.local @!p0 [hbm:s0], s1  }
0x77: {  	s0 =	simm.s32 @!p0 $0x2  }
0x78: {  	_ =	swait.ge @!p0 [sflag:s0], s1  }
0x79: {  	s1 =	ssub.s32 @!p0 $0x0, s1;
	[sflag:s0] =	ssyncset.done @!p0 $0x0  }
0x7a: {  	[sflag:s0] =	ssyncadd.s32 @!p0 s1  }
0x7b: {  	[bflag:$0x3] =	sbarrier.arrive $0xFFFF  }
0x7c: {  	_ =	shalt  }

</sc_bundles>
